<compile_context>
chip_gen: v7x
topology: tpu7x:2x2x1
jax: 0.10.2.dev20260603
libtpu: 0.0.44.dev20260713+nightly
codegen_flags: <defaults>
</compile_context>

<pallas_src>
import dataclasses
import functools

import jax
import jax.numpy as jnp
from jax import lax
from jax.experimental import pallas as pl
from jax.experimental.pallas import tpu as pltpu
from jax.experimental.pallas import tpu_sc as plsc

_G = 64
_B1 = 32000
_B2 = 16000

_INTERPRET = False


def _edge_batch_sc(node_batch_i32, src_i32):
    N = node_batch_i32.shape[0]
    E = src_i32.shape[0]
    NC, NS, L = 2, 16, 16
    NW = NC * NS
    bpw = E // NW
    mesh = plsc.VectorSubcoreMesh(core_axis_name="c", subcore_axis_name="s")
    cp = pltpu.CompilerParams()
    if "needs_layout_passes" in pltpu.CompilerParams.__dataclass_fields__:
        cp = dataclasses.replace(cp, needs_layout_passes=False)

    @functools.partial(
        pl.kernel, mesh=mesh,
        compiler_params=cp,
        out_type=jax.ShapeDtypeStruct((E,), jnp.int32),
        scratch_types=[
            pltpu.VMEM((N,), jnp.int32),
            pltpu.VMEM((bpw,), jnp.int32),
            pltpu.VMEM((bpw,), jnp.int32),
            pltpu.SemaphoreType.DMA,
        ],
    )
    def k(nb_hbm, src_hbm, eb_hbm, nb_v, src_v, eb_v, sem):
        wid = lax.axis_index("s") * NC + lax.axis_index("c")
        base = wid * bpw
        pltpu.async_copy(nb_hbm, nb_v, sem).wait()
        pltpu.async_copy(src_hbm.at[pl.ds(base, bpw)], src_v, sem).wait()

        @pl.loop(0, bpw, step=L)
        def _(i):
            idx = src_v[pl.ds(i, L)]
            eb_v[pl.ds(i, L)] = plsc.load_gather(nb_v, [idx])

        pltpu.async_copy(eb_v, eb_hbm.at[pl.ds(base, bpw)], sem).wait()

    return k(node_batch_i32, src_i32)


def kernel(edge_attr, edge_index, node_batch, Gamma_W, Gamma_b, Lambda_W):
    E, D = edge_attr.shape
    G, B1, B2 = _G, _B1, _B2
    NB1, NB2 = E // B1, E // B2
    assert E % B1 == 0 and E % B2 == 0

    eb = _edge_batch_sc(node_batch.astype(jnp.int32),
                        edge_index[0].astype(jnp.int32))
    eb_r1 = eb.reshape(NB1, 1, B1)
    eb_r2 = eb.reshape(NB2, 1, B2)
    gb = Gamma_b.reshape(1, D)

    def _pool_body(eb_ref, ea_ref, lamT_ref, gb_ref, padj_ref, acc_ref):
        i = pl.program_id(0)

        @pl.when(i == 0)
        def _():
            acc_ref[...] = jnp.zeros_like(acc_ref)

        ebb = jnp.broadcast_to(eb_ref[0], (G, B1))
        ind = ebb == lax.broadcasted_iota(jnp.int32, (G, B1), 0)
        indT = ind.astype(jnp.bfloat16)
        ea = ea_ref[...].astype(jnp.bfloat16)
        acc_ref[...] += jax.lax.dot_general(
            indT, ea, (((1,), (0,)), ((), ())),
            preferred_element_type=jnp.float32)

        @pl.when(i == NB1 - 1)
        def _():
            padj_ref[...] = jax.lax.dot_general(
                acc_ref[...], lamT_ref[...], (((1,), (1,)), ((), ())),
                preferred_element_type=jnp.float32) - gb_ref[...]

    padj = pl.pallas_call(
        _pool_body,
        grid=(NB1,),
        in_specs=[
            pl.BlockSpec((1, 1, B1), lambda i: (i, 0, 0)),
            pl.BlockSpec((B1, D), lambda i: (i, 0)),
            pl.BlockSpec((D, D), lambda i: (0, 0)),
            pl.BlockSpec((1, D), lambda i: (0, 0)),
        ],
        out_specs=pl.BlockSpec((G, D), lambda i: (0, 0)),
        out_shape=jax.ShapeDtypeStruct((G, D), jnp.float32),
        scratch_shapes=[pltpu.VMEM((G, D), jnp.float32)],
        interpret=_INTERPRET,
    )(eb_r1, edge_attr, Lambda_W, gb)

    def _out_body(eb_ref, ea_ref, gam_ref, padj_ref, out_ref):
        ebb = jnp.broadcast_to(eb_ref[0], (G, B2))
        ind = ebb == lax.broadcasted_iota(jnp.int32, (G, B2), 0)
        dense = jax.lax.dot_general(
            ea_ref[...].astype(jnp.bfloat16), gam_ref[...].astype(jnp.bfloat16),
            (((1,), (1,)), ((), ())),
            preferred_element_type=jnp.float32)
        unpool = jax.lax.dot_general(
            ind.astype(jnp.float32), padj_ref[...], (((0,), (0,)), ((), ())),
            preferred_element_type=jnp.float32)
        out_ref[...] = jnp.maximum(dense - unpool, 0.0)

    out = pl.pallas_call(
        _out_body,
        grid=(NB2,),
        in_specs=[
            pl.BlockSpec((1, 1, B2), lambda i: (i, 0, 0)),
            pl.BlockSpec((B2, D), lambda i: (i, 0)),
            pl.BlockSpec((D, D), lambda i: (0, 0)),
            pl.BlockSpec((G, D), lambda i: (0, 0)),
        ],
        out_specs=pl.BlockSpec((B2, D), lambda i: (i, 0)),
        out_shape=jax.ShapeDtypeStruct((E, D), jnp.float32),
        interpret=_INTERPRET,
    )(eb_r2, edge_attr, Gamma_W, padj)
    return out

# --- scband reference (transcript-rebuilt; emitter-appended) ---
"""Pipeline reference for scband-deepset-edge-encoder-66271345377483 (READ-ONLY COPY).

The authoritative reference and input builder live on the scoring server;
editing this copy changes nothing except your own understanding.
"""

import jax, jax.numpy as jnp
import numpy as np

E = 320000
N = 10000
D = 128
G = 64

def setup_inputs(seed: int = 0) -> dict:
    key = jax.random.key(seed)
    k1, k2, k3, k4, k5, k6 = jax.random.split(key, 6)
    edge_attr = jax.random.normal(k1, (E, D), dtype=jnp.float32)
    edge_index = jax.random.randint(k2, (2, E), 0, N, dtype=jnp.int64)
    node_batch = jnp.sort(jax.random.randint(k3, (N,), 0, G, dtype=jnp.int64))
    # learned params: Gamma = Linear(D, D) with bias, Lambda = Linear(D, D, bias=False)
    s = 1.0 / np.sqrt(D)
    Gamma_W = jax.random.uniform(k4, (D, D), minval=-s, maxval=s, dtype=jnp.float32)
    Gamma_b = jax.random.uniform(k5, (D,), minval=-s, maxval=s, dtype=jnp.float32)
    Lambda_W = jax.random.uniform(k6, (D, D), minval=-s, maxval=s, dtype=jnp.float32)
    return {"edge_attr": edge_attr, "edge_index": edge_index, "node_batch": node_batch,
            "Gamma_W": Gamma_W, "Gamma_b": Gamma_b, "Lambda_W": Lambda_W}

def reference(edge_attr, edge_index, node_batch, Gamma_W, Gamma_b, Lambda_W):
    # batchnorm=False -> batchnorm_e is identity
    # edge_batch: graph id for each edge via its source node
    edge_batch = jnp.take(node_batch, edge_index[0], axis=0)
    # global add pooling over edges per graph (segment sum)
    pool_sum_attr = jax.ops.segment_sum(edge_attr, edge_batch, num_segments=G)
    # unpool: broadcast pooled sums back to edges (gather)
    unpool_sum_attr = jnp.take(pool_sum_attr, edge_batch, axis=0)
    out = (edge_attr @ Gamma_W.T + Gamma_b) - (unpool_sum_attr @ Lambda_W.T)
    return jax.nn.relu(out)

if __name__ == "__main__":
    import jax
    _d = setup_inputs()
    print(jax.jit(kernel)(*tuple(_d.values())))

</pallas_src>

<mosaic_0001>
#map = affine_map<(d0, d1) -> (0)>
module attributes {stable_mosaic.version = 14 : i64} {
  func.func @k(%arg0: i32, %arg1: i32, %arg2: memref<10000xi32, #tpu.memory_space<hbm>>, %arg3: memref<320000xi32, #tpu.memory_space<hbm>>, %arg4: memref<320000xi32, #tpu.memory_space<hbm>>, %arg5: memref<10000xi32, #tpu.memory_space<vmem>>, %arg6: memref<10000xi32, #tpu.memory_space<vmem>>, %arg7: memref<10000xi32, #tpu.memory_space<vmem>>, %arg8: memref<!tpu.dma_semaphore, #tpu.memory_space<semaphore_mem>>) attributes {dimension_semantics = [#tpu.dimension_semantics<core_parallel>, #tpu.dimension_semantics<subcore_parallel>], iteration_bounds = array<i64: 2, 16>, scalar_prefetch = 0 : i64, scratch_operands = 4 : i64, tpu.core_type = #tpu.core_type<sc_vector_subcore>, window_params = [{transform_indices = #map}, {transform_indices = #map}, {transform_indices = #map}]} {
    %mul3A = arith.constant 2 : i32
    %mul3A_0 = arith.muli %arg1, %mul3A : i32
    %add3A = arith.addi %mul3A_0, %arg0 : i32
    %mul3A_1 = arith.constant 10000 : i32
    %mul3A_2 = arith.muli %add3A, %mul3A_1 : i32
    tpu.enqueue_dma source(%arg2 : memref<10000xi32, #tpu.memory_space<hbm>>) target(%arg5 : memref<10000xi32, #tpu.memory_space<vmem>>) target_semaphore(%arg8 : memref<!tpu.dma_semaphore, #tpu.memory_space<semaphore_mem>>)
    tpu.wait_dma2 semaphore(%arg8 : memref<!tpu.dma_semaphore, #tpu.memory_space<semaphore_mem>>) src(%arg2 : memref<10000xi32, #tpu.memory_space<hbm>>) dst(%arg5 : memref<10000xi32, #tpu.memory_space<vmem>>)
    %dma_start3A = tpu.memref_slice %arg3[%mul3A_2] : memref<320000xi32, #tpu.memory_space<hbm>> -> memref<10000xi32, #tpu.memory_space<hbm>>
    %dma_start3A_3 = tpu.memref_slice %arg3[%mul3A_2] : memref<320000xi32, #tpu.memory_space<hbm>> -> memref<10000xi32, #tpu.memory_space<hbm>>
    tpu.enqueue_dma source(%dma_start3A_3 : memref<10000xi32, #tpu.memory_space<hbm>>) target(%arg6 : memref<10000xi32, #tpu.memory_space<vmem>>) target_semaphore(%arg8 : memref<!tpu.dma_semaphore, #tpu.memory_space<semaphore_mem>>)
    %dma_wait3A = tpu.memref_slice %arg3[%mul3A_2] : memref<320000xi32, #tpu.memory_space<hbm>> -> memref<10000xi32, #tpu.memory_space<hbm>>
    %dma_wait3A_4 = tpu.memref_slice %arg3[%mul3A_2] : memref<320000xi32, #tpu.memory_space<hbm>> -> memref<10000xi32, #tpu.memory_space<hbm>>
    tpu.wait_dma2 semaphore(%arg8 : memref<!tpu.dma_semaphore, #tpu.memory_space<semaphore_mem>>) src(%dma_wait3A_4 : memref<10000xi32, #tpu.memory_space<hbm>>) dst(%arg6 : memref<10000xi32, #tpu.memory_space<vmem>>)
    %scan3A = arith.constant 0 : i32
    %scan3A_5 = arith.constant 625 : i32
    %scan3A_6 = arith.addi %scan3A, %scan3A_5 : i32
    %scan3A_7 = arith.constant 1 : i32
    scf.for %scan3A_13 = %scan3A to %scan3A_6 step %scan3A_7  : i32 {
      %mul3A_14 = arith.constant 16 : i32
      %mul3A_15 = arith.muli %scan3A_13, %mul3A_14 : i32
      %add3A_16 = arith.constant 0 : i32
      %add3A_17 = arith.addi %add3A_16, %mul3A_15 : i32
      %get3A = arith.index_cast %add3A_17 : i32 to index
      %get3A_18 = tpu.vector_load %arg6[%get3A] {strides = array<i32>} : memref<10000xi32, #tpu.memory_space<vmem>>, vector<16xi32>,
      %gather3A = tpu.vector_load_idx %arg5[%get3A_18] : memref<10000xi32, #tpu.memory_space<vmem>>[vector<16xi32>], vector<16xi32>,
      %swap3A = arith.index_cast %add3A_17 : i32 to index
      %swap3A_19 = tpu.vector_load %arg7[%swap3A] {strides = array<i32>} : memref<10000xi32, #tpu.memory_space<vmem>>, vector<16xi32>,
      tpu.vector_store %arg7[%swap3A], %gather3A {strides = array<i32>} : memref<10000xi32, #tpu.memory_space<vmem>>, vector<16xi32>,
    }
    %scan3A_8 = arith.constant 625 : i32
    %dma_start3A_9 = tpu.memref_slice %arg4[%mul3A_2] : memref<320000xi32, #tpu.memory_space<hbm>> -> memref<10000xi32, #tpu.memory_space<hbm>>
    %dma_start3A_10 = tpu.memref_slice %arg4[%mul3A_2] : memref<320000xi32, #tpu.memory_space<hbm>> -> memref<10000xi32, #tpu.memory_space<hbm>>
    tpu.enqueue_dma source(%arg7 : memref<10000xi32, #tpu.memory_space<vmem>>) target(%dma_start3A_10 : memref<10000xi32, #tpu.memory_space<hbm>>) target_semaphore(%arg8 : memref<!tpu.dma_semaphore, #tpu.memory_space<semaphore_mem>>)
    %dma_wait3A_11 = tpu.memref_slice %arg4[%mul3A_2] : memref<320000xi32, #tpu.memory_space<hbm>> -> memref<10000xi32, #tpu.memory_space<hbm>>
    %dma_wait3A_12 = tpu.memref_slice %arg4[%mul3A_2] : memref<320000xi32, #tpu.memory_space<hbm>> -> memref<10000xi32, #tpu.memory_space<hbm>>
    tpu.wait_dma2 semaphore(%arg8 : memref<!tpu.dma_semaphore, #tpu.memory_space<semaphore_mem>>) src(%arg7 : memref<10000xi32, #tpu.memory_space<vmem>>) dst(%dma_wait3A_12 : memref<10000xi32, #tpu.memory_space<hbm>>)
    return
  }
}

module attributes {stable_mosaic.version = 14 : i64} {
  func.func @_pool_body(%arg0: i32, %arg1: memref<1x1x32000xi32, #tpu.memory_space<vmem>>, %arg2: memref<32000x128xf32, #tpu.memory_space<vmem>>, %arg3: memref<128x128xf32, #tpu.memory_space<vmem>>, %arg4: memref<1x128xf32, #tpu.memory_space<vmem>>, %arg5: memref<64x128xf32, #tpu.memory_space<vmem>>, %arg6: memref<64x128xf32, #tpu.memory_space<vmem>>) attributes {dimension_semantics = [#tpu.dimension_semantics<arbitrary>], iteration_bounds = array<i64: 10>, scalar_prefetch = 0 : i64, scratch_operands = 1 : i64, tpu.core_type = #tpu.core_type<tc>, window_params = [{transform_indices = @transform_0, window_bounds = array<i64: 1, 1, 32000>}, {transform_indices = @transform_1, window_bounds = array<i64: 32000, 128>}, {pipeline_mode = #tpu.pipeline_mode<synchronous>, transform_indices = @transform_2, window_bounds = array<i64: 128, 128>}, {pipeline_mode = #tpu.pipeline_mode<synchronous>, transform_indices = @transform_3, window_bounds = array<i64: 1, 128>}, {pipeline_mode = #tpu.pipeline_mode<synchronous>, transform_indices = @transform_4, window_bounds = array<i64: 64, 128>}]} {
    %eq3A = arith.constant 0 : i32
    %eq3A_0 = arith.cmpi eq, %arg0, %eq3A : i32
    %convert_element_type3A = arith.extui %eq3A_0 : i1 to i32
    %cond3A = arith.constant 0 : i32
    %cond3A_1 = arith.cmpi ne, %convert_element_type3A, %cond3A : i32
    scf.if %cond3A_1 {
      %broadcast_in_dim3A_26 = arith.constant 0.000000e+00 : f32
      %broadcast_in_dim3A_27 = vector.broadcast %broadcast_in_dim3A_26 : f32 to vector<64x128xf32>
      %swap3A_28 = arith.constant 0 : index
      %swap3A_29 = arith.constant 0 : index
      %swap3A_30 = vector.load %arg6[%swap3A_28, %swap3A_29] : memref<64x128xf32, #tpu.memory_space<vmem>>, vector<64x128xf32>
      tpu.vector_store %arg6[%swap3A_28, %swap3A_29], %broadcast_in_dim3A_27 {strides = array<i32>} : memref<64x128xf32, #tpu.memory_space<vmem>>, vector<64x128xf32>,
    } else {
    }
    %get3A = arith.constant 0 : index
    %get3A_2 = arith.constant 0 : index
    %get3A_3 = arith.constant 0 : index
    %get3A_4 = vector.load %arg1[%get3A, %get3A_2, %get3A_3] : memref<1x1x32000xi32, #tpu.memory_space<vmem>>, vector<1x1x32000xi32>
    %get3A_5 = vector.shape_cast %get3A_4 : vector<1x1x32000xi32> to vector<1x32000xi32>
    %broadcast_in_dim3A = vector.shape_cast %get3A_5 : vector<1x32000xi32> to vector<1x32000xi32>
    %broadcast_in_dim3A_6 = vector.broadcast %broadcast_in_dim3A : vector<1x32000xi32> to vector<64x32000xi32>
    %iota3A = tpu.iota {dimensions = array<i32: 0>} : vector<64x32000xi32>
    %eq3A_7 = arith.cmpi eq, %broadcast_in_dim3A_6, %iota3A : vector<64x32000xi32>
    %convert_element_type3A_8 = arith.extui %eq3A_7 : vector<64x32000xi1> to vector<64x32000xi32>
    %convert_element_type3A_9 = arith.sitofp %convert_element_type3A_8 : vector<64x32000xi32> to vector<64x32000xf32>
    %convert_element_type3A_10 = arith.truncf %convert_element_type3A_9 : vector<64x32000xf32> to vector<64x32000xbf16>
    %get3A_11 = arith.constant 0 : index
    %get3A_12 = arith.constant 0 : index
    %get3A_13 = vector.load %arg2[%get3A_11, %get3A_12] : memref<32000x128xf32, #tpu.memory_space<vmem>>, vector<32000x128xf32>
    %convert_element_type3A_14 = arith.truncf %get3A_13 : vector<32000x128xf32> to vector<32000x128xbf16>
    %get3A_15 = arith.constant 0 : index
    %get3A_16 = arith.constant 0 : index
    %get3A_17 = vector.load %arg6[%get3A_15, %get3A_16] : memref<64x128xf32, #tpu.memory_space<vmem>>, vector<64x128xf32>
    %dot_general3A = arith.constant dense<0.000000e+00> : vector<64x128xf32>
    %dot_general3A_18 = tpu.matmul %convert_element_type3A_10, %convert_element_type3A_14, %dot_general3A {dimension_numbers = #tpu.dot_dimension_numbers<[1], [0], [0], [1], [0, 0, 1, 1], [], []>, transpose_lhs_hint = false} : vector<64x32000xbf16>, vector<32000x128xbf16>, vector<64x128xf32> -> vector<64x128xf32>
    %add3A = arith.addf %get3A_17, %dot_general3A_18 : vector<64x128xf32>
    %swap3A = arith.constant 0 : index
    %swap3A_19 = arith.constant 0 : index
    %swap3A_20 = vector.load %arg6[%swap3A, %swap3A_19] : memref<64x128xf32, #tpu.memory_space<vmem>>, vector<64x128xf32>
    tpu.vector_store %arg6[%swap3A, %swap3A_19], %add3A {strides = array<i32>} : memref<64x128xf32, #tpu.memory_space<vmem>>, vector<64x128xf32>,
    %eq3A_21 = arith.constant 9 : i32
    %eq3A_22 = arith.cmpi eq, %arg0, %eq3A_21 : i32
    %convert_element_type3A_23 = arith.extui %eq3A_22 : i1 to i32
    %cond3A_24 = arith.constant 0 : i32
    %cond3A_25 = arith.cmpi ne, %convert_element_type3A_23, %cond3A_24 : i32
    scf.if %cond3A_25 {
      %get3A_26 = arith.constant 0 : index
      %get3A_27 = arith.constant 0 : index
      %get3A_28 = vector.load %arg6[%get3A_26, %get3A_27] : memref<64x128xf32, #tpu.memory_space<vmem>>, vector<64x128xf32>
      %get3A_29 = arith.constant 0 : index
      %get3A_30 = arith.constant 0 : index
      %get3A_31 = vector.load %arg3[%get3A_29, %get3A_30] : memref<128x128xf32, #tpu.memory_space<vmem>>, vector<128x128xf32>
      %dot_general3A_32 = arith.constant dense<0.000000e+00> : vector<64x128xf32>
      %dot_general3A_33 = tpu.matmul %get3A_28, %get3A_31, %dot_general3A_32 {dimension_numbers = #tpu.dot_dimension_numbers<[1], [1], [0], [0], [0, 0, 1, 0], [], []>, transpose_lhs_hint = false} : vector<64x128xf32>, vector<128x128xf32>, vector<64x128xf32> -> vector<64x128xf32>
      %get3A_34 = arith.constant 0 : index
      %get3A_35 = arith.constant 0 : index
      %get3A_36 = vector.load %arg4[%get3A_34, %get3A_35] : memref<1x128xf32, #tpu.memory_space<vmem>>, vector<1x128xf32>
      %sub3A = vector.broadcast %get3A_36 : vector<1x128xf32> to vector<64x128xf32>
      %sub3A_37 = arith.subf %dot_general3A_33, %sub3A : vector<64x128xf32>
      %swap3A_38 = arith.constant 0 : index
      %swap3A_39 = arith.constant 0 : index
      %swap3A_40 = vector.load %arg5[%swap3A_38, %swap3A_39] : memref<64x128xf32, #tpu.memory_space<vmem>>, vector<64x128xf32>
      tpu.vector_store %arg5[%swap3A_38, %swap3A_39], %sub3A_37 {strides = array<i32>} : memref<64x128xf32, #tpu.memory_space<vmem>>, vector<64x128xf32>,
    } else {
    }
    return
  }
  func.func @transform_0(%arg0: i32) -> (i32, i32, i32) {
    %c0_i32 = arith.constant 0 : i32
    %c0_i32_0 = arith.constant 0 : i32
    %c0_i32_1 = arith.constant 0 : i32
    return %arg0, %c0_i32, %c0_i32_0 : i32, i32, i32
  }
  func.func @transform_1(%arg0: i32) -> (i32, i32) {
    %c0_i32 = arith.constant 0 : i32
    %c0_i32_0 = arith.constant 0 : i32
    return %arg0, %c0_i32 : i32, i32
  }
  func.func @transform_2(%arg0: i32) -> (i32, i32) {
    %c0_i32 = arith.constant 0 : i32
    %c0_i32_0 = arith.constant 0 : i32
    %c0_i32_1 = arith.constant 0 : i32
    return %c0_i32, %c0_i32_0 : i32, i32
  }
  func.func @transform_3(%arg0: i32) -> (i32, i32) {
    %c0_i32 = arith.constant 0 : i32
    %c0_i32_0 = arith.constant 0 : i32
    %c0_i32_1 = arith.constant 0 : i32
    return %c0_i32, %c0_i32_0 : i32, i32
  }
  func.func @transform_4(%arg0: i32) -> (i32, i32) {
    %c0_i32 = arith.constant 0 : i32
    %c0_i32_0 = arith.constant 0 : i32
    %c0_i32_1 = arith.constant 0 : i32
    return %c0_i32, %c0_i32_0 : i32, i32
  }
}

module attributes {stable_mosaic.version = 14 : i64} {
  func.func @_out_body(%arg0: i32, %arg1: memref<1x1x16000xi32, #tpu.memory_space<vmem>>, %arg2: memref<16000x128xf32, #tpu.memory_space<vmem>>, %arg3: memref<128x128xf32, #tpu.memory_space<vmem>>, %arg4: memref<64x128xf32, #tpu.memory_space<vmem>>, %arg5: memref<16000x128xf32, #tpu.memory_space<vmem>>) attributes {dimension_semantics = [#tpu.dimension_semantics<arbitrary>], iteration_bounds = array<i64: 20>, scalar_prefetch = 0 : i64, scratch_operands = 0 : i64, tpu.core_type = #tpu.core_type<tc>, window_params = [{transform_indices = @transform_0, window_bounds = array<i64: 1, 1, 16000>}, {transform_indices = @transform_1, window_bounds = array<i64: 16000, 128>}, {pipeline_mode = #tpu.pipeline_mode<synchronous>, transform_indices = @transform_2, window_bounds = array<i64: 128, 128>}, {pipeline_mode = #tpu.pipeline_mode<synchronous>, transform_indices = @transform_3, window_bounds = array<i64: 64, 128>}, {transform_indices = @transform_4, window_bounds = array<i64: 16000, 128>}]} {
    %get3A = arith.constant 0 : index
    %get3A_0 = arith.constant 0 : index
    %get3A_1 = arith.constant 0 : index
    %get3A_2 = vector.load %arg1[%get3A, %get3A_0, %get3A_1] : memref<1x1x16000xi32, #tpu.memory_space<vmem>>, vector<1x1x16000xi32>
    %get3A_3 = vector.shape_cast %get3A_2 : vector<1x1x16000xi32> to vector<1x16000xi32>
    %broadcast_in_dim3A = vector.shape_cast %get3A_3 : vector<1x16000xi32> to vector<1x16000xi32>
    %broadcast_in_dim3A_4 = vector.broadcast %broadcast_in_dim3A : vector<1x16000xi32> to vector<64x16000xi32>
    %iota3A = tpu.iota {dimensions = array<i32: 0>} : vector<64x16000xi32>
    %eq3A = arith.cmpi eq, %broadcast_in_dim3A_4, %iota3A : vector<64x16000xi32>
    %get3A_5 = arith.constant 0 : index
    %get3A_6 = arith.constant 0 : index
    %get3A_7 = vector.load %arg2[%get3A_5, %get3A_6] : memref<16000x128xf32, #tpu.memory_space<vmem>>, vector<16000x128xf32>
    %convert_element_type3A = arith.truncf %get3A_7 : vector<16000x128xf32> to vector<16000x128xbf16>
    %get3A_8 = arith.constant 0 : index
    %get3A_9 = arith.constant 0 : index
    %get3A_10 = vector.load %arg3[%get3A_8, %get3A_9] : memref<128x128xf32, #tpu.memory_space<vmem>>, vector<128x128xf32>
    %convert_element_type3A_11 = arith.truncf %get3A_10 : vector<128x128xf32> to vector<128x128xbf16>
    %dot_general3A = arith.constant dense<0.000000e+00> : vector<16000x128xf32>
    %dot_general3A_12 = tpu.matmul %convert_element_type3A, %convert_element_type3A_11, %dot_general3A {dimension_numbers = #tpu.dot_dimension_numbers<[1], [1], [0], [0], [0, 0, 1, 0], [], []>, transpose_lhs_hint = false} : vector<16000x128xbf16>, vector<128x128xbf16>, vector<16000x128xf32> -> vector<16000x128xf32>
    %convert_element_type3A_13 = arith.extui %eq3A : vector<64x16000xi1> to vector<64x16000xi32>
    %convert_element_type3A_14 = arith.sitofp %convert_element_type3A_13 : vector<64x16000xi32> to vector<64x16000xf32>
    %get3A_15 = arith.constant 0 : index
    %get3A_16 = arith.constant 0 : index
    %get3A_17 = vector.load %arg4[%get3A_15, %get3A_16] : memref<64x128xf32, #tpu.memory_space<vmem>>, vector<64x128xf32>
    %dot_general3A_18 = arith.constant dense<0.000000e+00> : vector<16000x128xf32>
    %dot_general3A_19 = tpu.matmul %convert_element_type3A_14, %get3A_17, %dot_general3A_18 {dimension_numbers = #tpu.dot_dimension_numbers<[0], [0], [1], [1], [0, 1, 1, 1], [], []>, transpose_lhs_hint = false} : vector<64x16000xf32>, vector<64x128xf32>, vector<16000x128xf32> -> vector<16000x128xf32>
    %sub3A = arith.subf %dot_general3A_12, %dot_general3A_19 : vector<16000x128xf32>
    %max3A = arith.constant 0.000000e+00 : f32
    %max3A_20 = vector.broadcast %max3A : f32 to vector<16000x128xf32>
    %max3A_21 = arith.maximumf %sub3A, %max3A_20 : vector<16000x128xf32>
    %swap3A = arith.constant 0 : index
    %swap3A_22 = arith.constant 0 : index
    %swap3A_23 = vector.load %arg5[%swap3A, %swap3A_22] : memref<16000x128xf32, #tpu.memory_space<vmem>>, vector<16000x128xf32>
    tpu.vector_store %arg5[%swap3A, %swap3A_22], %max3A_21 {strides = array<i32>} : memref<16000x128xf32, #tpu.memory_space<vmem>>, vector<16000x128xf32>,
    return
  }
  func.func @transform_0(%arg0: i32) -> (i32, i32, i32) {
    %c0_i32 = arith.constant 0 : i32
    %c0_i32_0 = arith.constant 0 : i32
    %c0_i32_1 = arith.constant 0 : i32
    return %arg0, %c0_i32, %c0_i32_0 : i32, i32, i32
  }
  func.func @transform_1(%arg0: i32) -> (i32, i32) {
    %c0_i32 = arith.constant 0 : i32
    %c0_i32_0 = arith.constant 0 : i32
    return %arg0, %c0_i32 : i32, i32
  }
  func.func @transform_2(%arg0: i32) -> (i32, i32) {
    %c0_i32 = arith.constant 0 : i32
    %c0_i32_0 = arith.constant 0 : i32
    %c0_i32_1 = arith.constant 0 : i32
    return %c0_i32, %c0_i32_0 : i32, i32
  }
  func.func @transform_3(%arg0: i32) -> (i32, i32) {
    %c0_i32 = arith.constant 0 : i32
    %c0_i32_0 = arith.constant 0 : i32
    %c0_i32_1 = arith.constant 0 : i32
    return %c0_i32, %c0_i32_0 : i32, i32
  }
  func.func @transform_4(%arg0: i32) -> (i32, i32) {
    %c0_i32 = arith.constant 0 : i32
    %c0_i32_0 = arith.constant 0 : i32
    return %arg0, %c0_i32 : i32, i32
  }
}

</mosaic_0001>

<sc_bundles>
// kernel: kernel.5.cloned.1.call-start
scs
__scs_entry_jumppad:
0x0: {  	(pc) =	sbr.rel $0x88, $3  }
0x1: {  	(tag) =	ssettag $0x0;
	lr =	simm.s32 $0x1  }
0x2: {  	[smem:$0x3F9B] =	sst lr;
	_ =	strace $0xD0000000  }
0x3: {  	_ = 	snop  }
0x4: {  	_ = 	snop  }
0x5: {  	_ = 	snop  }
0x6: {  	_ = 	snop  }
0x7: {  	_ = 	snop  }
__scs_overlays_trampoline_lowered:
0x8: {  	[smem:$0x3FAA] =	sst s0  }
0x9: {  	[smem:$0x3FAB] =	sst s1  }
0xa: {  	[smem:$0x3FAC] =	sst s2  }
0xb: {  	[smem:$0x3FAD] =	sst s3  }
0xc: {  	[smem:$0x3FAE] =	sst s4  }
0xd: {  	[smem:$0x3FAF] =	sst s5  }
0xe: {  	[smem:$0x3FB0] =	sst s6  }
0xf: {  	[smem:$0x3FB1] =	sst s7  }
0x10: {  	[smem:$0x3FB2] =	sst s8  }
0x11: {  	[smem:$0x3FB3] =	sst s9;
	s0 =	simm.s32 @!p0 $0x0  }
0x12: {  	s1 =	sld [smem:$0x3F99];
	s0 =	simm.s32 @p0 $0x1  }
0x13: {  	[smem:$0x3FB4] =	sst s0;
	s0 =	simm.s32 @!p1 $0x0  }
0x14: {  	s2 =	sld [smem:$0x3F98];
	s0 =	simm.s32 @p1 $0x1  }
0x15: {  	[smem:$0x3FB5] =	sst s0;
	s0 =	simm.s32 @!p2 $0x0  }
0x16: {  	s3 =	sld [smem:$0x3FDB];
	s0 =	simm.s32 @p2 $0x1  }
0x17: {  	s4 =	simm.s32 $0x1BF5;
	[smem:$0x3FB7] =	sst s0  }
0x18: {  	s0 =	sld [smem:$0x3F9A];
	_ =	swait.ge [sflag:s4], $0x0  }
0x19: {  	s7 =	sld [smem:$0x3F9B]  }
0x1a: {  	s8 =	sadd.s32 $0xFFFFE003, lr  }
0x1b: {  	s9 =	sadd.s32 $0xFFFFFEF7, lr;
	s5 =	simm.s32 $0xFFFFFFFF;
	p2 =	slt.u32 s8, $0xFFFFF086  }
0x1c: {  	p1 =	slt.u32 s9, $0xF7A;
	s5 =	simm.s32 @!p2 $0x0  }
0x1d: {  	s5 =	simm.s32 @p1 $0x1;
	p0 =	seq.s32 s7, s2  }
0x1e: {  	s7 =	smul.u32 @!p0 $0xF7A, s2;
	p2 =	seq.s32 @!p0 s5, $0x0  }
0x1f: {  	s9 =	smul.u32 $0xF7A, s1;
	s8 =	simm.s32 @!p0 $0x1BF5;
	p2 =	por !p2, p0  }
0x20: {  	[sflag:s8] =	ssyncset.s32 @!p0 $0xFFFFF086;
	s6 =	sadd.s32 @!p0 s3, s7;
	s7 =	simm.s32 @!p0 $0x108  }
0x21: {  	s3 =	sadd.s32 s3, s9;
	s6 =	sadd.s32 @!p0 $0x88, s6;
	s7 =	simm.s32 @p2 $0x1082  }
0x22: {  	[simem:s7], [sflag:s8] =	dma.local @!p0 [hbm:s6], $0xF7A  }
0x23: {  	s9 =	sor.u32 $0xD0000000, s2;
	s6 =	simm.s32 $0x108;
	_ =	swait.ge @!p0 [sflag:s8], $0x0  }
0x24: {  	s3 =	sadd.s32 $0x88, s3;
	s6 =	simm.s32 @!p1 $0x1082;
	[sflag:s4] =	ssyncset.s32 $0xFFFFF086  }
0x25: {  	[simem:s6], [sflag:s4] =	dma.local [hbm:s3], $0xF7A  }
0x26: {  	[smem:$0x3F9B] =	sst s1;
	(tag) =	ssettag s2;
	_ =	strace s9  }
0x27: {  	s1 =	sld [smem:$0x3FAB]  }
0x28: {  	s2 =	sld [smem:$0x3FAC]  }
0x29: {  	s4 =	sld [smem:$0x3FAE]  }
0x2a: {  	p0 =	seq.s32 s5, $0x0;
	s5 =	sld [smem:$0x3FAF]  }
0x2b: {  	s6 =	sld [smem:$0x3FB0]  }
0x2c: {  	s7 =	sld [smem:$0x3FB1]  }
0x2d: {  	s3 =	simm.s32 $0x108;
	s8 =	sld [smem:$0x3FB2]  }
0x2e: {  	s3 =	simm.s32 @!p0 $0x1082;
	s9 =	sld [smem:$0x3FB3]  }
0x2f: {  	lr =	sadd.s32 s0, s3;
	s0 =	sld [smem:$0x3FAA]  }
0x30: {  	s3 =	sld [smem:$0x3FAD]  }
0x31: {  	[smem:$0x3FB6] =	sst s10  }
0x32: {  	s10 =	sld [smem:$0x3FB4];
	_ =	sdelay $0x3  }
0x33: {  	p0 =	seq.s32 s10, $0x1;
	s10 =	sld [smem:$0x3FB6];
	_ =	sdelay $0x3  }
0x34: {  	[smem:$0x3FB6] =	sst s10  }
0x35: {  	s10 =	sld [smem:$0x3FB5];
	_ =	sdelay $0x3  }
0x36: {  	p1 =	seq.s32 s10, $0x1;
	s10 =	sld [smem:$0x3FB6];
	_ =	sdelay $0x3  }
0x37: {  	[smem:$0x3FB6] =	sst s10  }
0x38: {  	s10 =	sld [smem:$0x3FB7]  }
0x39: {  	_ = 	snop;
	(pc) =	sbr.ind lr, $3  }
0x3a: {  	_ = 	snop  }
0x3b: {  	_ = 	snop  }
0x3c: {  	p2 =	seq.s32 s10, $0x1;
	s10 =	sld [smem:$0x3FB6]  }
0x3d: {  	_ =	shalt  }
0x3e: {  	_ =	shalt  }
0x3f: {  	_ =	shalt  }
0x40: {  	_ =	shalt  }
0x41: {  	_ =	shalt  }
0x42: {  	_ =	shalt  }
0x43: {  	_ =	shalt  }
0x44: {  	_ =	shalt  }
0x45: {  	_ =	shalt  }
0x46: {  	_ =	shalt  }
0x47: {  	_ =	shalt  }
0x48: {  	_ =	shalt  }
0x49: {  	_ =	shalt  }
0x4a: {  	_ =	shalt  }
0x4b: {  	_ =	shalt  }
0x4c: {  	_ =	shalt  }
0x4d: {  	_ =	shalt  }
0x4e: {  	_ =	shalt  }
0x4f: {  	_ =	shalt  }
0x50: {  	_ =	shalt  }
0x51: {  	_ =	shalt  }
0x52: {  	_ =	shalt  }
0x53: {  	_ =	shalt  }
0x54: {  	_ =	shalt  }
0x55: {  	_ =	shalt  }
0x56: {  	_ =	shalt  }
0x57: {  	_ =	shalt  }
0x58: {  	_ =	shalt  }
0x59: {  	_ =	shalt  }
0x5a: {  	_ =	shalt  }
0x5b: {  	_ =	shalt  }
0x5c: {  	_ =	shalt  }
0x5d: {  	_ =	shalt  }
0x5e: {  	_ =	shalt  }
0x5f: {  	_ =	shalt  }
0x60: {  	_ =	shalt  }
0x61: {  	_ =	shalt  }
0x62: {  	_ =	shalt  }
0x63: {  	_ =	shalt  }
0x64: {  	_ =	shalt  }
0x65: {  	_ =	shalt  }
0x66: {  	_ =	shalt  }
0x67: {  	_ =	shalt  }
0x68: {  	_ =	shalt  }
0x69: {  	_ =	shalt  }
0x6a: {  	_ =	shalt  }
0x6b: {  	_ =	shalt  }
0x6c: {  	_ =	shalt  }
0x6d: {  	_ =	shalt  }
0x6e: {  	_ =	shalt  }
0x6f: {  	_ =	shalt  }
0x70: {  	_ =	shalt  }
0x71: {  	_ =	shalt  }
0x72: {  	_ =	shalt  }
0x73: {  	_ =	shalt  }
0x74: {  	_ =	shalt  }
0x75: {  	_ =	shalt  }
0x76: {  	_ =	shalt  }
0x77: {  	_ =	shalt  }
0x78: {  	_ =	shalt  }
0x79: {  	_ =	shalt  }
0x7a: {  	_ =	shalt  }
0x7b: {  	_ =	shalt  }
0x7c: {  	_ =	shalt  }
0x7d: {  	_ =	shalt  }
0x7e: {  	_ =	shalt  }
0x7f: {  	_ =	shalt  }
0x80: {  	_ =	shalt  }
0x81: {  	_ =	shalt  }
0x82: {  	_ =	shalt  }
0x83: {  	_ =	shalt  }
0x84: {  	_ =	shalt  }
0x85: {  	_ =	shalt  }
0x86: {  	_ =	shalt  }
0x87: {  	_ =	shalt  }
.Lfunc_end0:
.L_simem_size_0:
called_computation_lowered:
.L_overlay_start_0:
0x88: {  	s2 =	sld [smem:$0x3FD9]  }
0x89: {  	s3 =	sld [smem:$0x3FFE];
	_ =	sdelay $0x1  }
0x8a: {  	s1 =	srdreg.scid  }
0x8b: {  	s0 =	sand.u32 $0x1, s1  }
0x8c: {  	s17 =	sshll.u32 s0, $0xA;
	s2 =	sadd.s32 s3, s2  }
0x8d: {  	s2 =	sadd.s32 s2, s17  }
0x8e: {  	[smem:$0x3FC2] =	sst s2  }
0x8f: {  	_ = 	snop  }
0x90: {  	s2 =	sld [smem:$0x3FC7]  }
0x91: {  	s18 =	sld [smem:$0x3FD0];
	(tm) =	ssettm $0x1  }
0x92: {  	s4 =	sld [smem:$0x3FFB];
	_ =	sdelay $0x3  }
0x93: {  	_ =	strace s4  }
0x94: {  	s4 =	sld [smem:$0x3FFC];
	_ =	sdelay $0x3  }
0x95: {  	_ =	strace s4  }
0x96: {  	s4 =	sld [smem:$0x3FFD];
	_ =	sdelay $0x3  }
0x97: {  	_ =	strace s4  }
0x98: {  	_ =	strace $0x8FFFFFFF  }
0x99: {  	s19 =	sld [smem:$0x3FDB];
	_ =	sdelay $0x1  }
0x9a: {  	s5 =	simm.s32 $_scs_section_size  }
0x9b: {  	s6 =	simm.s32 $_size__tile_overlayer_lowered;
	s7 =	simm.s32 $_tile_overlayer_lowered  }
0x9c: {  	s22 =	simm.s32 $0x1BFF;
	s21 =	sshll.u32 s7, $0x1;
	s4 =	sadd.s32 s5, s19  }
0x9d: {  	s8 =	simm.s32 $0x0;
	s20 =	sshll.u32 s6, $0x1;
	s6 =	sadd.s32 s21, s4  }
0x9e: {  	[timem:s8], [sflag:s22] =	dma.local [hbm:s6], s20  }
0x9f: {  	_ =	swait.ge [sflag:s22], s20  }
0xa0: {  	s5 =	ssub.s32 $0x0, s20;
	[sflag:s22] =	ssyncset.done $0x0  }
0xa1: {  	[sflag:s22] =	ssyncadd.s32 s5;
	_ =	sdelay $0x1  }
0xa2: {  	s23 =	simm.s32 $0x1B8B  }
0xa3: {  	_ =	swait.ge [sflag:s23], $0x1  }
0xa4: {  	[sflag:s23] =	ssyncset.done $0x0  }
0xa5: {  	s25 =	simm.s32 $0x1B8E;
	s24 =	sld [smem:$0x3FFE];
	[sflag:s23] =	ssyncadd.s32 $0xFFFFFFFF  }
0xa6: {  	s26 =	simm.s32 $execute0_lowered;
	[smem:$0x3FD2] =	sst s25  }
0xa7: {  	s6 =	sshll.u32 s26, $0x1;
	_ =	strace $0x80000046;
	[dreg:$0x1] =	wrdreg $0xFFFFFFFF  }
0xa8: {  	s28 =	simm.s32 $_size_execute0_lowered;
	s4 =	sadd.s32 s4, s6;
	[dreg:$0x0] =	wrdreg $0x0  }
0xa9: {  	s6 =	sshll.u32 s28, $0x1;
	[dreg:$0x2] =	wrdreg s4  }
0xaa: {  	[dreg:$0x3] =	wrdreg s6  }
0xab: {  	[dreg:$0x4] =	wrdreg $0xC0  }
0xac: {  	_ =	task [dreg:s8], $0x5FFFF  }
0xad: {  	[dreg:$0x1] =	wrdreg $0xFFFFFFFF  }
0xae: {  	[dreg:$0x0] =	wrdreg $0x60  }
0xaf: {  	[dreg:$0x2] =	wrdreg s2  }
0xb0: {  	[dreg:$0x3] =	wrdreg s18  }
0xb1: {  	[dreg:$0x4] =	wrdreg s24  }
0xb2: {  	[dreg:$0x5] =	wrdreg $0x9  }
0xb3: {  	_ =	task.clear_ibuf [dreg:s8], $0x6FFFF;
	_ =	strace $0x90000046  }
0xb4: {  	s29 =	simm.s32 $0x9;
	_ =	strace $0x80000048  }
0xb5: {  	_ =	swait.ge [sflag:s29], $0x1  }
0xb6: {  	[sflag:s29] =	ssyncadd.s32 $0xFFFFFFFF  }
0xb7: {  	_ =	strace $0x90000048  }
0xb8: {  	_ =	sfence  }
0xb9: {  	s30 =	sld [smem:$0x0];
	_ =	sdelay $0x2  }
0xba: {  	s31 =	sshll.u32 s1, $0xD;
	s1 =	sshrl.u32 s1, $0x2  }
0xbb: {  	s3 =	sand.u32 $0x4000, s31;
	s1 =	sadd.s32 s1, s30  }
0xbc: {  	s0 =	sor.u32 s3, s0;
	s1 =	sshll.u32 s1, $0x11  }
0xbd: {  	s0 =	sor.u32 s1, s0  }
0xbe: {  	s0 =	sadd.s32 $0x8F2B, s0  }
0xbf: {  	[sflag:s0] =	ssyncadd.remote.s32 $0x1  }
0xc0: {  	_ =	sfence.sel $0xFFFF  }
0xc1: {  	[dreg:$0x0] =	wrdreg $0xFFFFFFFF;
	(pc) =	sbr.abs _section_cstart, $3  }
0xc2: {  	[dreg:$0x1] =	wrdreg $0xFFFFFFFF  }
0xc3: {  	_ =	task.clear_ibuf [dreg:s8], $0x2FFFF;
	_ =	strace $0x9FFFFFFF  }
0xc4: {  	(tm) =	ssettm $0x7FFFFFFF  }
0xc5: {  	_ =	shalt  }
tec
execute0_lowered:
.L_overlay_start_1:
0x0: {  	(tag) =	ssettag $0x1  }
0x1: {  	s1 =	rddreg [dreg:$0x0]  }
0x2: {  	s4 =	rddreg [dreg:$0x1];
	s2 =	srdreg.scid  }
0x3: {  	s0 =	stileid.u32;
	s5 =	rddreg [dreg:$0x2];
	s3 =	simm.s32 $0x0  }
0x4: {  	s9 =	simm.s32 $0x4F00;
	s6 =	sand.u32 $0x1, s2;
	s7 =	sshll.u32 s0, $0x1  }
0x5: {  	s10 =	simm.s32 $0x0;
	s7 =	sor.u32 s6, s7;
	s6 =	ssub.s32 $0x2, s6  }
0x6: {  	[smem:$0x7FF] =	sst s3;
	s7 =	smul.u32 $0x4E2, s7;
	s8 =	sshrl.u32 s6, $0x1  }
0x7: {  	s2 =	rddreg [dreg:$0x3];
	_ =	strace $0x80000047;
	s6 =	ssub.s32 s6, s8  }
0x8: {  	s8 =	simm.s32 $0x2780;
	s5 =	sadd.s32 s7, s5;
	s4 =	sadd.s32 s4, s7  }
0x9: {  	s6 =	smax.u32 s6, $0x1;
	s7 =	simm.s32 $0x1;
	s5 =	sadd.s32 $0x800, s5  }
.LBB2_1:
0xa: {  	[tilespmem:s3], [sflag:$0x1] =	stream.linear.gather [hbm4b:s1+s3], $0x2780, $0x38;
	[tilespmem:$0x7680] =	vst v63  }
0xb: {  	_ =	swait.ge [sflag:s7], $0x2780  }
0xc: {  	[sflag:s7] =	ssyncset.done $0x0  }
0xd: {  	[sflag:s7] =	ssyncadd.s32 $0xFFFFD880  }
0xe: {  	[tilespmem:s8], [sflag:$0x1] =	stream.linear.gather [hbm4b:s4+s3], $0x2710, $0x38;
	[tilespmem:$0x7680] =	vst v63  }
0xf: {  	_ =	swait.ge [sflag:s7], $0x2710  }
0x10: {  	[sflag:s7] =	ssyncset.done $0x0  }
0x11: {  	s11 =	simm.s32 $0x0;
	[sflag:s7] =	ssyncadd.s32 $0xFFFFD8F0  }
0x12: {  	v0 =	vld [tilespmem:s11+$0x2780];
	_ =	sdelay $0x7  }
0x13: {  	s12 =	simm.s32 $0x10;
	s13 =	simm.s32 $0x80;
	v0 =	vld.idx.msk [tilespmem:v0+s3+$0x0], $0xffff  }
.LBB2_2:
0x14: {  	p0 =	sne.s32 s13, $0x9C00;
	v1 =	vld [tilespmem:s12+$0x2780];
	_ =	sdelay $0x3  }
.Ltmp0:
0x15: {  	(pc) =	sbr.rel @p0 .LBB2_2-.Ltmp0, $2  }
0x16: {  	[tilespmem:s11+$0x4F00] =	vst v0;
	s11 =	smov.u32 s12;
	_ =	sdelay $0x2  }
0x17: {  	s12 =	sshra.s32 s13, $0x2;
	s13 =	sadd.s32 $0x40, s13;
	v0 =	vld.idx.msk [tilespmem:v1+s3+$0x0], $0xffff  }
0x18: {  	v1 =	vld [tilespmem:s12+$0x2780];
	_ =	sdelay $0x6  }
0x19: {  	[tilespmem:s11+$0x4F00] =	vst v0  }
0x1a: {  	v0 =	vld.idx.msk [tilespmem:v1+s3+$0x0], $0xffff;
	_ =	sdelay $0x2  }
0x1b: {  	s10 =	sadd.s32 $0x1, s10  }
0x1c: {  	p0 =	sne.s32 s10, s6  }
.Ltmp1:
0x1d: {  	[tilespmem:s12+$0x4F00] =	vst v0;
	(pc) =	sbr.rel @p0 .LBB2_1-.Ltmp1, $4  }
0x1e: {  	[hbm4b:s5+s3] =	stream.linear.scatter [tilespmem:s9], [sflag:$0x1], $0x2710, $0x38;
	[tilespmem:$0x7680] =	vst v63  }
0x1f: {  	_ =	swait.ge [sflag:s7], $0x2710  }
0x20: {  	[sflag:s7] =	ssyncset.done $0x0  }
0x21: {  	[sflag:s7] =	ssyncadd.s32 $0xFFFFD8F0  }
0x22: {  	_ =	sfence.sel $0x180000  }
0x23: {  	[bflag:$0x0] =	sbarrier.arrive $0xFFFF  }
0x24: {  	p0 =	sne.s32 s0, $0x0;
	_ =	strace $0x90000047  }
0x25: {  	s0 =	sadd.s32 @!p0 $0x100000, s2;
	[bflag:$0x2] =	sbarrier.arrive $0xFFFF  }
0x26: {  	[sflag:s0] =	ssyncadd.tile.s32 @!p0 $0x1;
	_ =	shalt  }
.Lfunc_end2:
_tile_overlayer_lowered:
.L_overlay_start_2:
0x27: {  	(tag) =	ssettag $0x2  }
0x28: {  	s0 =	rddreg [dreg:$0x0];
	s2 =	stileid.u32  }
0x29: {  	s1 =	rddreg [dreg:$0x1];
	p0 =	sne.s32 s2, $0x0  }
0x2a: {  	s3 =	rddreg [dreg:$0x2];
	[bflag:$0x3] =	sbarrier.arrive $0xFFFF;
	s2 =	simm.s32 @!p0 $0x1C02  }
0x2b: {  	[timem:s3], [sflag:s2] =	dma.local @!p0 [hbm:s0], s1  }
0x2c: {  	s0 =	simm.s32 @!p0 $0x2  }
0x2d: {  	_ =	swait.ge @!p0 [sflag:s0], s1  }
0x2e: {  	s1 =	ssub.s32 @!p0 $0x0, s1;
	[sflag:s0] =	ssyncset.done @!p0 $0x0  }
0x2f: {  	[sflag:s0] =	ssyncadd.s32 @!p0 s1  }
0x30: {  	[bflag:$0x3] =	sbarrier.arrive $0xFFFF  }
0x31: {  	_ =	shalt  }

</sc_bundles>
